<compile_context>
chip_gen: v7x
topology: tpu7x:2x2x1
jax: 0.10.2.dev20260603
libtpu: 0.0.44.dev20260713+nightly
codegen_flags: <defaults>
</compile_context>

<pallas_src>
import functools

import jax
import jax.numpy as jnp
from jax import lax
from jax.experimental import pallas as pl
from jax.experimental.pallas import tpu as pltpu
from jax.experimental.pallas import tpu_sc as plsc

NUM_ACTIONS = 1000000
ENC_DIM = 64
BATCH = 16384

_SUBL = 8
_N_TILES = NUM_ACTIONS // _SUBL

_info = plsc.get_sparse_core_info()
_NC, _NS = _info.num_cores, _info.num_subcores
_NW = _NC * _NS
_B_PER_W = BATCH // _NW


@functools.partial(
    pl.kernel,
    mesh=plsc.VectorSubcoreMesh(core_axis_name="c", subcore_axis_name="s"),
    out_type=jax.ShapeDtypeStruct((BATCH, ENC_DIM), jnp.float32),
    scratch_types=[
        pltpu.VMEM((_B_PER_W,), jnp.int32),
        pltpu.VMEM((_B_PER_W, ENC_DIM), jnp.float32),
        pltpu.SemaphoreType.DMA,
    ],
    compiler_params=pltpu.CompilerParams(use_tc_tiling_on_sc=True),
)
def _sc_gather(table_hbm, act_hbm, out_hbm, idx_v, rows_v, sem):
    wid = lax.axis_index("s") * _NC + lax.axis_index("c")
    base = wid * _B_PER_W
    tiles_hbm = table_hbm.reshape(_N_TILES, _SUBL, ENC_DIM)
    pltpu.sync_copy(act_hbm.at[pl.ds(base, _B_PER_W)], idx_v)

    @pl.loop(0, _B_PER_W, unroll=4)
    def _issue(r):
        a = idx_v[pl.ds(r, 1)][0]
        pltpu.async_copy(
            tiles_hbm.at[a >> 3, a & 7],
            rows_v.at[r],
            sem,
        )

    @pl.loop(0, _B_PER_W, unroll=4)
    def _drain(r):
        pltpu.make_async_copy(tiles_hbm.at[0, 0], rows_v.at[0], sem).wait()

    pltpu.sync_copy(rows_v, out_hbm.at[pl.ds(base, _B_PER_W)])


def kernel(act, table):
    act = act.astype(jnp.int32)
    return _sc_gather(table, act)

# --- scband reference (transcript-rebuilt; emitter-appended) ---
"""Pipeline reference for scband-action-encoder-82240033784155 (READ-ONLY COPY).

The authoritative reference and input builder live on the scoring server;
editing this copy changes nothing except your own understanding.
"""

import jax, jax.numpy as jnp
import numpy as np

NUM_ACTIONS = 1000000
ENC_DIM = 64
BATCH = 16384

def setup_inputs(seed: int = 0) -> dict:
    key = jax.random.key(seed)
    k1, k2 = jax.random.split(key)
    act = jax.random.randint(k1, (BATCH,), 0, NUM_ACTIONS)
    # nn.Embedding weight, default init N(0, 1)
    table = jax.random.normal(k2, (NUM_ACTIONS, ENC_DIM), dtype=jnp.float32)
    return {"act": act, "table": table}

def reference(act, table):
    # Discrete action space path: embedding lookup (gather rows)
    return jnp.take(table, act, axis=0)

if __name__ == "__main__":
    import jax
    _d = setup_inputs()
    print(jax.jit(kernel)(*tuple(_d.values())))

</pallas_src>

<mosaic_0001>
#map = affine_map<(d0, d1) -> (0, 0)>
#map1 = affine_map<(d0, d1) -> (0)>
module attributes {stable_mosaic.version = 14 : i64} {
  func.func @_sc_gather(%arg0: i32, %arg1: i32, %arg2: memref<1000000x64xf32, #tpu.memory_space<hbm>>, %arg3: memref<16384xi32, #tpu.memory_space<hbm>>, %arg4: memref<16384x64xf32, #tpu.memory_space<hbm>>, %arg5: memref<512xi32, #tpu.memory_space<vmem>>, %arg6: memref<512x64xf32, #tpu.memory_space<vmem>>, %arg7: memref<!tpu.dma_semaphore, #tpu.memory_space<semaphore_mem>>) attributes {dimension_semantics = [#tpu.dimension_semantics<core_parallel>, #tpu.dimension_semantics<subcore_parallel>], iteration_bounds = array<i64: 2, 16>, scalar_prefetch = 0 : i64, scratch_operands = 3 : i64, tpu.core_type = #tpu.core_type<sc_vector_subcore>, window_params = [{transform_indices = #map}, {transform_indices = #map1}, {transform_indices = #map}]} {
    %mul3A = arith.constant 2 : i32
    %mul3A_0 = arith.muli %arg1, %mul3A : i32
    %add3A = arith.addi %mul3A_0, %arg0 : i32
    %mul3A_1 = arith.constant 512 : i32
    %mul3A_2 = arith.muli %add3A, %mul3A_1 : i32
    "tpu.region"() ({
      %run_scoped3A = tpu.sem_alloc : memref<!tpu.dma_semaphore, #tpu.memory_space<semaphore_mem>>
      %dma_start3A = tpu.memref_slice %arg3[%mul3A_2] : memref<16384xi32, #tpu.memory_space<hbm>> -> memref<512xi32, #tpu.memory_space<hbm>>
      %dma_start3A_12 = tpu.memref_slice %arg3[%mul3A_2] : memref<16384xi32, #tpu.memory_space<hbm>> -> memref<512xi32, #tpu.memory_space<hbm>>
      tpu.enqueue_dma source(%dma_start3A_12 : memref<512xi32, #tpu.memory_space<hbm>>) target(%arg5 : memref<512xi32, #tpu.memory_space<vmem>>) target_semaphore(%run_scoped3A : memref<!tpu.dma_semaphore, #tpu.memory_space<semaphore_mem>>)
      %dma_wait3A = tpu.memref_slice %arg3[%mul3A_2] : memref<16384xi32, #tpu.memory_space<hbm>> -> memref<512xi32, #tpu.memory_space<hbm>>
      %dma_wait3A_13 = tpu.memref_slice %arg3[%mul3A_2] : memref<16384xi32, #tpu.memory_space<hbm>> -> memref<512xi32, #tpu.memory_space<hbm>>
      tpu.wait_dma2 semaphore(%run_scoped3A : memref<!tpu.dma_semaphore, #tpu.memory_space<semaphore_mem>>) src(%dma_wait3A_13 : memref<512xi32, #tpu.memory_space<hbm>>) dst(%arg5 : memref<512xi32, #tpu.memory_space<vmem>>)
      tpu.yield
    }) : () -> ()
    %scan3A = arith.constant 0 : i32
    %scan3A_3 = arith.constant 512 : i32
    %scan3A_4 = arith.addi %scan3A, %scan3A_3 : i32
    %scan3A_5 = arith.constant 4 : i32
    scf.for %scan3A_12 = %scan3A to %scan3A_4 step %scan3A_5  : i32 {
      %mul3A_13 = arith.constant 1 : i32
      %mul3A_14 = arith.muli %scan3A_12, %mul3A_13 : i32
      %add3A_15 = arith.constant 0 : i32
      %add3A_16 = arith.addi %add3A_15, %mul3A_14 : i32
      %get3A = arith.index_cast %add3A_16 : i32 to index
      %get3A_17 = tpu.vector_load %arg5[%get3A] {strides = array<i32>} : memref<512xi32, #tpu.memory_space<vmem>>, vector<1xi32>,
      %get3A_18 = vector.shape_cast %get3A_17 : vector<1xi32> to vector<1xi32>
      %squeeze3A = vector.extract %get3A_18[0] : i32 from vector<1xi32>
      %shift_right_arithmetic3A = arith.constant 3 : i32
      %shift_right_arithmetic3A_19 = arith.shrsi %squeeze3A, %shift_right_arithmetic3A : i32
      %and3A = arith.constant 7 : i32
      %and3A_20 = arith.andi %squeeze3A, %and3A : i32
      %dma_start3A = arith.constant 0 : i32
      %dma_start3A_21 = tpu.memref_slice %arg6[%add3A_16, %dma_start3A] : memref<512x64xf32, #tpu.memory_space<vmem>> -> memref<1x64xf32, #tpu.memory_space<vmem>>
      %dma_start3A_22 = tpu.memref_squeeze %dma_start3A_21 : memref<1x64xf32, #tpu.memory_space<vmem>> -> memref<64xf32, #tpu.memory_space<vmem>>
      %dma_start3A_23 = tpu.memref_reshape %arg2 : memref<1000000x64xf32, #tpu.memory_space<hbm>> -> memref<125000x8x64xf32, #tpu.memory_space<hbm>>
      %dma_start3A_24 = arith.constant 0 : i32
      %dma_start3A_25 = tpu.memref_slice %dma_start3A_23[%shift_right_arithmetic3A_19, %and3A_20, %dma_start3A_24] : memref<125000x8x64xf32, #tpu.memory_space<hbm>> -> memref<1x1x64xf32, #tpu.memory_space<hbm>>
      %dma_start3A_26 = tpu.memref_squeeze %dma_start3A_25 : memref<1x1x64xf32, #tpu.memory_space<hbm>> -> memref<64xf32, #tpu.memory_space<hbm>>
      %dma_start3A_27 = arith.constant 0 : i32
      %dma_start3A_28 = tpu.memref_slice %arg6[%add3A_16, %dma_start3A_27] : memref<512x64xf32, #tpu.memory_space<vmem>> -> memref<1x64xf32, #tpu.memory_space<vmem>>
      %dma_start3A_29 = tpu.memref_squeeze %dma_start3A_28 : memref<1x64xf32, #tpu.memory_space<vmem>> -> memref<64xf32, #tpu.memory_space<vmem>>
      %dma_start3A_30 = tpu.memref_reshape %arg2 : memref<1000000x64xf32, #tpu.memory_space<hbm>> -> memref<125000x8x64xf32, #tpu.memory_space<hbm>>
      %dma_start3A_31 = arith.constant 0 : i32
      %dma_start3A_32 = tpu.memref_slice %dma_start3A_30[%shift_right_arithmetic3A_19, %and3A_20, %dma_start3A_31] : memref<125000x8x64xf32, #tpu.memory_space<hbm>> -> memref<1x1x64xf32, #tpu.memory_space<hbm>>
      %dma_start3A_33 = tpu.memref_squeeze %dma_start3A_32 : memref<1x1x64xf32, #tpu.memory_space<hbm>> -> memref<64xf32, #tpu.memory_space<hbm>>
      tpu.enqueue_dma source(%dma_start3A_33 : memref<64xf32, #tpu.memory_space<hbm>>) target(%dma_start3A_29 : memref<64xf32, #tpu.memory_space<vmem>>) target_semaphore(%arg7 : memref<!tpu.dma_semaphore, #tpu.memory_space<semaphore_mem>>)
      %scan3A_34 = arith.constant 1 : i32
      %scan3A_35 = arith.addi %scan3A_12, %scan3A_34 : i32
      %mul3A_36 = arith.constant 1 : i32
      %mul3A_37 = arith.muli %scan3A_35, %mul3A_36 : i32
      %add3A_38 = arith.constant 0 : i32
      %add3A_39 = arith.addi %add3A_38, %mul3A_37 : i32
      %get3A_40 = arith.index_cast %add3A_39 : i32 to index
      %get3A_41 = tpu.vector_load %arg5[%get3A_40] {strides = array<i32>} : memref<512xi32, #tpu.memory_space<vmem>>, vector<1xi32>,
      %get3A_42 = vector.shape_cast %get3A_41 : vector<1xi32> to vector<1xi32>
      %squeeze3A_43 = vector.extract %get3A_42[0] : i32 from vector<1xi32>
      %shift_right_arithmetic3A_44 = arith.constant 3 : i32
      %shift_right_arithmetic3A_45 = arith.shrsi %squeeze3A_43, %shift_right_arithmetic3A_44 : i32
      %and3A_46 = arith.constant 7 : i32
      %and3A_47 = arith.andi %squeeze3A_43, %and3A_46 : i32
      %dma_start3A_48 = arith.constant 0 : i32
      %dma_start3A_49 = tpu.memref_slice %arg6[%add3A_39, %dma_start3A_48] : memref<512x64xf32, #tpu.memory_space<vmem>> -> memref<1x64xf32, #tpu.memory_space<vmem>>
      %dma_start3A_50 = tpu.memref_squeeze %dma_start3A_49 : memref<1x64xf32, #tpu.memory_space<vmem>> -> memref<64xf32, #tpu.memory_space<vmem>>
      %dma_start3A_51 = tpu.memref_reshape %arg2 : memref<1000000x64xf32, #tpu.memory_space<hbm>> -> memref<125000x8x64xf32, #tpu.memory_space<hbm>>
      %dma_start3A_52 = arith.constant 0 : i32
      %dma_start3A_53 = tpu.memref_slice %dma_start3A_51[%shift_right_arithmetic3A_45, %and3A_47, %dma_start3A_52] : memref<125000x8x64xf32, #tpu.memory_space<hbm>> -> memref<1x1x64xf32, #tpu.memory_space<hbm>>
      %dma_start3A_54 = tpu.memref_squeeze %dma_start3A_53 : memref<1x1x64xf32, #tpu.memory_space<hbm>> -> memref<64xf32, #tpu.memory_space<hbm>>
      %dma_start3A_55 = arith.constant 0 : i32
      %dma_start3A_56 = tpu.memref_slice %arg6[%add3A_39, %dma_start3A_55] : memref<512x64xf32, #tpu.memory_space<vmem>> -> memref<1x64xf32, #tpu.memory_space<vmem>>
      %dma_start3A_57 = tpu.memref_squeeze %dma_start3A_56 : memref<1x64xf32, #tpu.memory_space<vmem>> -> memref<64xf32, #tpu.memory_space<vmem>>
      %dma_start3A_58 = tpu.memref_reshape %arg2 : memref<1000000x64xf32, #tpu.memory_space<hbm>> -> memref<125000x8x64xf32, #tpu.memory_space<hbm>>
      %dma_start3A_59 = arith.constant 0 : i32
      %dma_start3A_60 = tpu.memref_slice %dma_start3A_58[%shift_right_arithmetic3A_45, %and3A_47, %dma_start3A_59] : memref<125000x8x64xf32, #tpu.memory_space<hbm>> -> memref<1x1x64xf32, #tpu.memory_space<hbm>>
      %dma_start3A_61 = tpu.memref_squeeze %dma_start3A_60 : memref<1x1x64xf32, #tpu.memory_space<hbm>> -> memref<64xf32, #tpu.memory_space<hbm>>
      tpu.enqueue_dma source(%dma_start3A_61 : memref<64xf32, #tpu.memory_space<hbm>>) target(%dma_start3A_57 : memref<64xf32, #tpu.memory_space<vmem>>) target_semaphore(%arg7 : memref<!tpu.dma_semaphore, #tpu.memory_space<semaphore_mem>>)
      %scan3A_62 = arith.constant 2 : i32
      %scan3A_63 = arith.addi %scan3A_12, %scan3A_62 : i32
      %mul3A_64 = arith.constant 1 : i32
      %mul3A_65 = arith.muli %scan3A_63, %mul3A_64 : i32
      %add3A_66 = arith.constant 0 : i32
      %add3A_67 = arith.addi %add3A_66, %mul3A_65 : i32
      %get3A_68 = arith.index_cast %add3A_67 : i32 to index
      %get3A_69 = tpu.vector_load %arg5[%get3A_68] {strides = array<i32>} : memref<512xi32, #tpu.memory_space<vmem>>, vector<1xi32>,
      %get3A_70 = vector.shape_cast %get3A_69 : vector<1xi32> to vector<1xi32>
      %squeeze3A_71 = vector.extract %get3A_70[0] : i32 from vector<1xi32>
      %shift_right_arithmetic3A_72 = arith.constant 3 : i32
      %shift_right_arithmetic3A_73 = arith.shrsi %squeeze3A_71, %shift_right_arithmetic3A_72 : i32
      %and3A_74 = arith.constant 7 : i32
      %and3A_75 = arith.andi %squeeze3A_71, %and3A_74 : i32
      %dma_start3A_76 = arith.constant 0 : i32
      %dma_start3A_77 = tpu.memref_slice %arg6[%add3A_67, %dma_start3A_76] : memref<512x64xf32, #tpu.memory_space<vmem>> -> memref<1x64xf32, #tpu.memory_space<vmem>>
      %dma_start3A_78 = tpu.memref_squeeze %dma_start3A_77 : memref<1x64xf32, #tpu.memory_space<vmem>> -> memref<64xf32, #tpu.memory_space<vmem>>
      %dma_start3A_79 = tpu.memref_reshape %arg2 : memref<1000000x64xf32, #tpu.memory_space<hbm>> -> memref<125000x8x64xf32, #tpu.memory_space<hbm>>
      %dma_start3A_80 = arith.constant 0 : i32
      %dma_start3A_81 = tpu.memref_slice %dma_start3A_79[%shift_right_arithmetic3A_73, %and3A_75, %dma_start3A_80] : memref<125000x8x64xf32, #tpu.memory_space<hbm>> -> memref<1x1x64xf32, #tpu.memory_space<hbm>>
      %dma_start3A_82 = tpu.memref_squeeze %dma_start3A_81 : memref<1x1x64xf32, #tpu.memory_space<hbm>> -> memref<64xf32, #tpu.memory_space<hbm>>
      %dma_start3A_83 = arith.constant 0 : i32
      %dma_start3A_84 = tpu.memref_slice %arg6[%add3A_67, %dma_start3A_83] : memref<512x64xf32, #tpu.memory_space<vmem>> -> memref<1x64xf32, #tpu.memory_space<vmem>>
      %dma_start3A_85 = tpu.memref_squeeze %dma_start3A_84 : memref<1x64xf32, #tpu.memory_space<vmem>> -> memref<64xf32, #tpu.memory_space<vmem>>
      %dma_start3A_86 = tpu.memref_reshape %arg2 : memref<1000000x64xf32, #tpu.memory_space<hbm>> -> memref<125000x8x64xf32, #tpu.memory_space<hbm>>
      %dma_start3A_87 = arith.constant 0 : i32
      %dma_start3A_88 = tpu.memref_slice %dma_start3A_86[%shift_right_arithmetic3A_73, %and3A_75, %dma_start3A_87] : memref<125000x8x64xf32, #tpu.memory_space<hbm>> -> memref<1x1x64xf32, #tpu.memory_space<hbm>>
      %dma_start3A_89 = tpu.memref_squeeze %dma_start3A_88 : memref<1x1x64xf32, #tpu.memory_space<hbm>> -> memref<64xf32, #tpu.memory_space<hbm>>
      tpu.enqueue_dma source(%dma_start3A_89 : memref<64xf32, #tpu.memory_space<hbm>>) target(%dma_start3A_85 : memref<64xf32, #tpu.memory_space<vmem>>) target_semaphore(%arg7 : memref<!tpu.dma_semaphore, #tpu.memory_space<semaphore_mem>>)
      %scan3A_90 = arith.constant 3 : i32
      %scan3A_91 = arith.addi %scan3A_12, %scan3A_90 : i32
      %mul3A_92 = arith.constant 1 : i32
      %mul3A_93 = arith.muli %scan3A_91, %mul3A_92 : i32
      %add3A_94 = arith.constant 0 : i32
      %add3A_95 = arith.addi %add3A_94, %mul3A_93 : i32
      %get3A_96 = arith.index_cast %add3A_95 : i32 to index
      %get3A_97 = tpu.vector_load %arg5[%get3A_96] {strides = array<i32>} : memref<512xi32, #tpu.memory_space<vmem>>, vector<1xi32>,
      %get3A_98 = vector.shape_cast %get3A_97 : vector<1xi32> to vector<1xi32>
      %squeeze3A_99 = vector.extract %get3A_98[0] : i32 from vector<1xi32>
      %shift_right_arithmetic3A_100 = arith.constant 3 : i32
      %shift_right_arithmetic3A_101 = arith.shrsi %squeeze3A_99, %shift_right_arithmetic3A_100 : i32
      %and3A_102 = arith.constant 7 : i32
      %and3A_103 = arith.andi %squeeze3A_99, %and3A_102 : i32
      %dma_start3A_104 = arith.constant 0 : i32
      %dma_start3A_105 = tpu.memref_slice %arg6[%add3A_95, %dma_start3A_104] : memref<512x64xf32, #tpu.memory_space<vmem>> -> memref<1x64xf32, #tpu.memory_space<vmem>>
      %dma_start3A_106 = tpu.memref_squeeze %dma_start3A_105 : memref<1x64xf32, #tpu.memory_space<vmem>> -> memref<64xf32, #tpu.memory_space<vmem>>
      %dma_start3A_107 = tpu.memref_reshape %arg2 : memref<1000000x64xf32, #tpu.memory_space<hbm>> -> memref<125000x8x64xf32, #tpu.memory_space<hbm>>
      %dma_start3A_108 = arith.constant 0 : i32
      %dma_start3A_109 = tpu.memref_slice %dma_start3A_107[%shift_right_arithmetic3A_101, %and3A_103, %dma_start3A_108] : memref<125000x8x64xf32, #tpu.memory_space<hbm>> -> memref<1x1x64xf32, #tpu.memory_space<hbm>>
      %dma_start3A_110 = tpu.memref_squeeze %dma_start3A_109 : memref<1x1x64xf32, #tpu.memory_space<hbm>> -> memref<64xf32, #tpu.memory_space<hbm>>
      %dma_start3A_111 = arith.constant 0 : i32
      %dma_start3A_112 = tpu.memref_slice %arg6[%add3A_95, %dma_start3A_111] : memref<512x64xf32, #tpu.memory_space<vmem>> -> memref<1x64xf32, #tpu.memory_space<vmem>>
      %dma_start3A_113 = tpu.memref_squeeze %dma_start3A_112 : memref<1x64xf32, #tpu.memory_space<vmem>> -> memref<64xf32, #tpu.memory_space<vmem>>
      %dma_start3A_114 = tpu.memref_reshape %arg2 : memref<1000000x64xf32, #tpu.memory_space<hbm>> -> memref<125000x8x64xf32, #tpu.memory_space<hbm>>
      %dma_start3A_115 = arith.constant 0 : i32
      %dma_start3A_116 = tpu.memref_slice %dma_start3A_114[%shift_right_arithmetic3A_101, %and3A_103, %dma_start3A_115] : memref<125000x8x64xf32, #tpu.memory_space<hbm>> -> memref<1x1x64xf32, #tpu.memory_space<hbm>>
      %dma_start3A_117 = tpu.memref_squeeze %dma_start3A_116 : memref<1x1x64xf32, #tpu.memory_space<hbm>> -> memref<64xf32, #tpu.memory_space<hbm>>
      tpu.enqueue_dma source(%dma_start3A_117 : memref<64xf32, #tpu.memory_space<hbm>>) target(%dma_start3A_113 : memref<64xf32, #tpu.memory_space<vmem>>) target_semaphore(%arg7 : memref<!tpu.dma_semaphore, #tpu.memory_space<semaphore_mem>>)
    }
    %scan3A_6 = arith.constant 512 : i32
    %scan3A_7 = arith.constant 0 : i32
    %scan3A_8 = arith.constant 512 : i32
    %scan3A_9 = arith.addi %scan3A_7, %scan3A_8 : i32
    %scan3A_10 = arith.constant 4 : i32
    scf.for %scan3A_12 = %scan3A_7 to %scan3A_9 step %scan3A_10  : i32 {
      %mul3A_13 = arith.constant 1 : i32
      %mul3A_14 = arith.muli %scan3A_12, %mul3A_13 : i32
      %add3A_15 = arith.constant 0 : i32
      %add3A_16 = arith.addi %add3A_15, %mul3A_14 : i32
      %dma_wait3A = arith.constant 0 : i32
      %dma_wait3A_17 = arith.constant 0 : i32
      %dma_wait3A_18 = arith.constant 0 : i32
      %dma_wait3A_19 = arith.constant 0 : i32
      %dma_wait3A_20 = tpu.memref_slice %arg6[%dma_wait3A_18, %dma_wait3A_19] : memref<512x64xf32, #tpu.memory_space<vmem>> -> memref<1x64xf32, #tpu.memory_space<vmem>>
      %dma_wait3A_21 = tpu.memref_squeeze %dma_wait3A_20 : memref<1x64xf32, #tpu.memory_space<vmem>> -> memref<64xf32, #tpu.memory_space<vmem>>
      %dma_wait3A_22 = tpu.memref_reshape %arg2 : memref<1000000x64xf32, #tpu.memory_space<hbm>> -> memref<125000x8x64xf32, #tpu.memory_space<hbm>>
      %dma_wait3A_23 = arith.constant 0 : i32
      %dma_wait3A_24 = tpu.memref_slice %dma_wait3A_22[%dma_wait3A, %dma_wait3A_17, %dma_wait3A_23] : memref<125000x8x64xf32, #tpu.memory_space<hbm>> -> memref<1x1x64xf32, #tpu.memory_space<hbm>>
      %dma_wait3A_25 = tpu.memref_squeeze %dma_wait3A_24 : memref<1x1x64xf32, #tpu.memory_space<hbm>> -> memref<64xf32, #tpu.memory_space<hbm>>
      %dma_wait3A_26 = arith.constant 0 : i32
      %dma_wait3A_27 = tpu.memref_slice %arg6[%dma_wait3A_18, %dma_wait3A_26] : memref<512x64xf32, #tpu.memory_space<vmem>> -> memref<1x64xf32, #tpu.memory_space<vmem>>
      %dma_wait3A_28 = tpu.memref_squeeze %dma_wait3A_27 : memref<1x64xf32, #tpu.memory_space<vmem>> -> memref<64xf32, #tpu.memory_space<vmem>>
      %dma_wait3A_29 = tpu.memref_reshape %arg2 : memref<1000000x64xf32, #tpu.memory_space<hbm>> -> memref<125000x8x64xf32, #tpu.memory_space<hbm>>
      %dma_wait3A_30 = arith.constant 0 : i32
      %dma_wait3A_31 = tpu.memref_slice %dma_wait3A_29[%dma_wait3A, %dma_wait3A_17, %dma_wait3A_30] : memref<125000x8x64xf32, #tpu.memory_space<hbm>> -> memref<1x1x64xf32, #tpu.memory_space<hbm>>
      %dma_wait3A_32 = tpu.memref_squeeze %dma_wait3A_31 : memref<1x1x64xf32, #tpu.memory_space<hbm>> -> memref<64xf32, #tpu.memory_space<hbm>>
      tpu.wait_dma2 semaphore(%arg7 : memref<!tpu.dma_semaphore, #tpu.memory_space<semaphore_mem>>) src(%dma_wait3A_32 : memref<64xf32, #tpu.memory_space<hbm>>) dst(%dma_wait3A_28 : memref<64xf32, #tpu.memory_space<vmem>>)
      %scan3A_33 = arith.constant 1 : i32
      %scan3A_34 = arith.addi %scan3A_12, %scan3A_33 : i32
      %mul3A_35 = arith.constant 1 : i32
      %mul3A_36 = arith.muli %scan3A_34, %mul3A_35 : i32
      %add3A_37 = arith.constant 0 : i32
      %add3A_38 = arith.addi %add3A_37, %mul3A_36 : i32
      %dma_wait3A_39 = arith.constant 0 : i32
      %dma_wait3A_40 = arith.constant 0 : i32
      %dma_wait3A_41 = arith.constant 0 : i32
      %dma_wait3A_42 = arith.constant 0 : i32
      %dma_wait3A_43 = tpu.memref_slice %arg6[%dma_wait3A_41, %dma_wait3A_42] : memref<512x64xf32, #tpu.memory_space<vmem>> -> memref<1x64xf32, #tpu.memory_space<vmem>>
      %dma_wait3A_44 = tpu.memref_squeeze %dma_wait3A_43 : memref<1x64xf32, #tpu.memory_space<vmem>> -> memref<64xf32, #tpu.memory_space<vmem>>
      %dma_wait3A_45 = tpu.memref_reshape %arg2 : memref<1000000x64xf32, #tpu.memory_space<hbm>> -> memref<125000x8x64xf32, #tpu.memory_space<hbm>>
      %dma_wait3A_46 = arith.constant 0 : i32
      %dma_wait3A_47 = tpu.memref_slice %dma_wait3A_45[%dma_wait3A_39, %dma_wait3A_40, %dma_wait3A_46] : memref<125000x8x64xf32, #tpu.memory_space<hbm>> -> memref<1x1x64xf32, #tpu.memory_space<hbm>>
      %dma_wait3A_48 = tpu.memref_squeeze %dma_wait3A_47 : memref<1x1x64xf32, #tpu.memory_space<hbm>> -> memref<64xf32, #tpu.memory_space<hbm>>
      %dma_wait3A_49 = arith.constant 0 : i32
      %dma_wait3A_50 = tpu.memref_slice %arg6[%dma_wait3A_41, %dma_wait3A_49] : memref<512x64xf32, #tpu.memory_space<vmem>> -> memref<1x64xf32, #tpu.memory_space<vmem>>
      %dma_wait3A_51 = tpu.memref_squeeze %dma_wait3A_50 : memref<1x64xf32, #tpu.memory_space<vmem>> -> memref<64xf32, #tpu.memory_space<vmem>>
      %dma_wait3A_52 = tpu.memref_reshape %arg2 : memref<1000000x64xf32, #tpu.memory_space<hbm>> -> memref<125000x8x64xf32, #tpu.memory_space<hbm>>
      %dma_wait3A_53 = arith.constant 0 : i32
      %dma_wait3A_54 = tpu.memref_slice %dma_wait3A_52[%dma_wait3A_39, %dma_wait3A_40, %dma_wait3A_53] : memref<125000x8x64xf32, #tpu.memory_space<hbm>> -> memref<1x1x64xf32, #tpu.memory_space<hbm>>
      %dma_wait3A_55 = tpu.memref_squeeze %dma_wait3A_54 : memref<1x1x64xf32, #tpu.memory_space<hbm>> -> memref<64xf32, #tpu.memory_space<hbm>>
      tpu.wait_dma2 semaphore(%arg7 : memref<!tpu.dma_semaphore, #tpu.memory_space<semaphore_mem>>) src(%dma_wait3A_55 : memref<64xf32, #tpu.memory_space<hbm>>) dst(%dma_wait3A_51 : memref<64xf32, #tpu.memory_space<vmem>>)
      %scan3A_56 = arith.constant 2 : i32
      %scan3A_57 = arith.addi %scan3A_12, %scan3A_56 : i32
      %mul3A_58 = arith.constant 1 : i32
      %mul3A_59 = arith.muli %scan3A_57, %mul3A_58 : i32
      %add3A_60 = arith.constant 0 : i32
      %add3A_61 = arith.addi %add3A_60, %mul3A_59 : i32
      %dma_wait3A_62 = arith.constant 0 : i32
      %dma_wait3A_63 = arith.constant 0 : i32
      %dma_wait3A_64 = arith.constant 0 : i32
      %dma_wait3A_65 = arith.constant 0 : i32
      %dma_wait3A_66 = tpu.memref_slice %arg6[%dma_wait3A_64, %dma_wait3A_65] : memref<512x64xf32, #tpu.memory_space<vmem>> -> memref<1x64xf32, #tpu.memory_space<vmem>>
      %dma_wait3A_67 = tpu.memref_squeeze %dma_wait3A_66 : memref<1x64xf32, #tpu.memory_space<vmem>> -> memref<64xf32, #tpu.memory_space<vmem>>
      %dma_wait3A_68 = tpu.memref_reshape %arg2 : memref<1000000x64xf32, #tpu.memory_space<hbm>> -> memref<125000x8x64xf32, #tpu.memory_space<hbm>>
      %dma_wait3A_69 = arith.constant 0 : i32
      %dma_wait3A_70 = tpu.memref_slice %dma_wait3A_68[%dma_wait3A_62, %dma_wait3A_63, %dma_wait3A_69] : memref<125000x8x64xf32, #tpu.memory_space<hbm>> -> memref<1x1x64xf32, #tpu.memory_space<hbm>>
      %dma_wait3A_71 = tpu.memref_squeeze %dma_wait3A_70 : memref<1x1x64xf32, #tpu.memory_space<hbm>> -> memref<64xf32, #tpu.memory_space<hbm>>
      %dma_wait3A_72 = arith.constant 0 : i32
      %dma_wait3A_73 = tpu.memref_slice %arg6[%dma_wait3A_64, %dma_wait3A_72] : memref<512x64xf32, #tpu.memory_space<vmem>> -> memref<1x64xf32, #tpu.memory_space<vmem>>
      %dma_wait3A_74 = tpu.memref_squeeze %dma_wait3A_73 : memref<1x64xf32, #tpu.memory_space<vmem>> -> memref<64xf32, #tpu.memory_space<vmem>>
      %dma_wait3A_75 = tpu.memref_reshape %arg2 : memref<1000000x64xf32, #tpu.memory_space<hbm>> -> memref<125000x8x64xf32, #tpu.memory_space<hbm>>
      %dma_wait3A_76 = arith.constant 0 : i32
      %dma_wait3A_77 = tpu.memref_slice %dma_wait3A_75[%dma_wait3A_62, %dma_wait3A_63, %dma_wait3A_76] : memref<125000x8x64xf32, #tpu.memory_space<hbm>> -> memref<1x1x64xf32, #tpu.memory_space<hbm>>
      %dma_wait3A_78 = tpu.memref_squeeze %dma_wait3A_77 : memref<1x1x64xf32, #tpu.memory_space<hbm>> -> memref<64xf32, #tpu.memory_space<hbm>>
      tpu.wait_dma2 semaphore(%arg7 : memref<!tpu.dma_semaphore, #tpu.memory_space<semaphore_mem>>) src(%dma_wait3A_78 : memref<64xf32, #tpu.memory_space<hbm>>) dst(%dma_wait3A_74 : memref<64xf32, #tpu.memory_space<vmem>>)
      %scan3A_79 = arith.constant 3 : i32
      %scan3A_80 = arith.addi %scan3A_12, %scan3A_79 : i32
      %mul3A_81 = arith.constant 1 : i32
      %mul3A_82 = arith.muli %scan3A_80, %mul3A_81 : i32
      %add3A_83 = arith.constant 0 : i32
      %add3A_84 = arith.addi %add3A_83, %mul3A_82 : i32
      %dma_wait3A_85 = arith.constant 0 : i32
      %dma_wait3A_86 = arith.constant 0 : i32
      %dma_wait3A_87 = arith.constant 0 : i32
      %dma_wait3A_88 = arith.constant 0 : i32
      %dma_wait3A_89 = tpu.memref_slice %arg6[%dma_wait3A_87, %dma_wait3A_88] : memref<512x64xf32, #tpu.memory_space<vmem>> -> memref<1x64xf32, #tpu.memory_space<vmem>>
      %dma_wait3A_90 = tpu.memref_squeeze %dma_wait3A_89 : memref<1x64xf32, #tpu.memory_space<vmem>> -> memref<64xf32, #tpu.memory_space<vmem>>
      %dma_wait3A_91 = tpu.memref_reshape %arg2 : memref<1000000x64xf32, #tpu.memory_space<hbm>> -> memref<125000x8x64xf32, #tpu.memory_space<hbm>>
      %dma_wait3A_92 = arith.constant 0 : i32
      %dma_wait3A_93 = tpu.memref_slice %dma_wait3A_91[%dma_wait3A_85, %dma_wait3A_86, %dma_wait3A_92] : memref<125000x8x64xf32, #tpu.memory_space<hbm>> -> memref<1x1x64xf32, #tpu.memory_space<hbm>>
      %dma_wait3A_94 = tpu.memref_squeeze %dma_wait3A_93 : memref<1x1x64xf32, #tpu.memory_space<hbm>> -> memref<64xf32, #tpu.memory_space<hbm>>
      %dma_wait3A_95 = arith.constant 0 : i32
      %dma_wait3A_96 = tpu.memref_slice %arg6[%dma_wait3A_87, %dma_wait3A_95] : memref<512x64xf32, #tpu.memory_space<vmem>> -> memref<1x64xf32, #tpu.memory_space<vmem>>
      %dma_wait3A_97 = tpu.memref_squeeze %dma_wait3A_96 : memref<1x64xf32, #tpu.memory_space<vmem>> -> memref<64xf32, #tpu.memory_space<vmem>>
      %dma_wait3A_98 = tpu.memref_reshape %arg2 : memref<1000000x64xf32, #tpu.memory_space<hbm>> -> memref<125000x8x64xf32, #tpu.memory_space<hbm>>
      %dma_wait3A_99 = arith.constant 0 : i32
      %dma_wait3A_100 = tpu.memref_slice %dma_wait3A_98[%dma_wait3A_85, %dma_wait3A_86, %dma_wait3A_99] : memref<125000x8x64xf32, #tpu.memory_space<hbm>> -> memref<1x1x64xf32, #tpu.memory_space<hbm>>
      %dma_wait3A_101 = tpu.memref_squeeze %dma_wait3A_100 : memref<1x1x64xf32, #tpu.memory_space<hbm>> -> memref<64xf32, #tpu.memory_space<hbm>>
      tpu.wait_dma2 semaphore(%arg7 : memref<!tpu.dma_semaphore, #tpu.memory_space<semaphore_mem>>) src(%dma_wait3A_101 : memref<64xf32, #tpu.memory_space<hbm>>) dst(%dma_wait3A_97 : memref<64xf32, #tpu.memory_space<vmem>>)
    }
    %scan3A_11 = arith.constant 512 : i32
    "tpu.region"() ({
      %run_scoped3A = tpu.sem_alloc : memref<!tpu.dma_semaphore, #tpu.memory_space<semaphore_mem>>
      %dma_start3A = arith.constant 0 : i32
      %dma_start3A_12 = tpu.memref_slice %arg4[%mul3A_2, %dma_start3A] : memref<16384x64xf32, #tpu.memory_space<hbm>> -> memref<512x64xf32, #tpu.memory_space<hbm>>
      %dma_start3A_13 = arith.constant 0 : i32
      %dma_start3A_14 = tpu.memref_slice %arg4[%mul3A_2, %dma_start3A_13] : memref<16384x64xf32, #tpu.memory_space<hbm>> -> memref<512x64xf32, #tpu.memory_space<hbm>>
      tpu.enqueue_dma source(%arg6 : memref<512x64xf32, #tpu.memory_space<vmem>>) target(%dma_start3A_14 : memref<512x64xf32, #tpu.memory_space<hbm>>) target_semaphore(%run_scoped3A : memref<!tpu.dma_semaphore, #tpu.memory_space<semaphore_mem>>)
      %dma_wait3A = arith.constant 0 : i32
      %dma_wait3A_15 = tpu.memref_slice %arg4[%mul3A_2, %dma_wait3A] : memref<16384x64xf32, #tpu.memory_space<hbm>> -> memref<512x64xf32, #tpu.memory_space<hbm>>
      %dma_wait3A_16 = arith.constant 0 : i32
      %dma_wait3A_17 = tpu.memref_slice %arg4[%mul3A_2, %dma_wait3A_16] : memref<16384x64xf32, #tpu.memory_space<hbm>> -> memref<512x64xf32, #tpu.memory_space<hbm>>
      tpu.wait_dma2 semaphore(%run_scoped3A : memref<!tpu.dma_semaphore, #tpu.memory_space<semaphore_mem>>) src(%arg6 : memref<512x64xf32, #tpu.memory_space<vmem>>) dst(%dma_wait3A_17 : memref<512x64xf32, #tpu.memory_space<hbm>>)
      tpu.yield
    }) : () -> ()
    return
  }
}

</mosaic_0001>

<sc_bundles>
// kernel: kernel.3.cloned.1.call-start
scs
__scs_entry_jumppad:
0x0: {  	(pc) =	sbr.rel $0x88, $3  }
0x1: {  	(tag) =	ssettag $0x0;
	lr =	simm.s32 $0x1  }
0x2: {  	[smem:$0x3F9F] =	sst lr;
	_ =	strace $0xD0000000  }
0x3: {  	_ = 	snop  }
0x4: {  	_ = 	snop  }
0x5: {  	_ = 	snop  }
0x6: {  	_ = 	snop  }
0x7: {  	_ = 	snop  }
__scs_overlays_trampoline_lowered:
0x8: {  	[smem:$0x3FAE] =	sst s0  }
0x9: {  	[smem:$0x3FAF] =	sst s1  }
0xa: {  	[smem:$0x3FB0] =	sst s2  }
0xb: {  	[smem:$0x3FB1] =	sst s3  }
0xc: {  	[smem:$0x3FB2] =	sst s4  }
0xd: {  	[smem:$0x3FB3] =	sst s5  }
0xe: {  	[smem:$0x3FB4] =	sst s6  }
0xf: {  	[smem:$0x3FB5] =	sst s7  }
0x10: {  	[smem:$0x3FB6] =	sst s8  }
0x11: {  	[smem:$0x3FB7] =	sst s9;
	s0 =	simm.s32 @!p0 $0x0  }
0x12: {  	s1 =	sld [smem:$0x3F9D];
	s0 =	simm.s32 @p0 $0x1  }
0x13: {  	[smem:$0x3FB8] =	sst s0;
	s0 =	simm.s32 @!p1 $0x0  }
0x14: {  	s2 =	sld [smem:$0x3F9C];
	s0 =	simm.s32 @p1 $0x1  }
0x15: {  	[smem:$0x3FB9] =	sst s0;
	s0 =	simm.s32 @!p2 $0x0  }
0x16: {  	s3 =	sld [smem:$0x3FDB];
	s0 =	simm.s32 @p2 $0x1  }
0x17: {  	s4 =	simm.s32 $0x1BF5;
	[smem:$0x3FBB] =	sst s0  }
0x18: {  	s0 =	sld [smem:$0x3F9E];
	_ =	swait.ge [sflag:s4], $0x0  }
0x19: {  	s7 =	sld [smem:$0x3F9F]  }
0x1a: {  	s8 =	sadd.s32 $0xFFFFE003, lr  }
0x1b: {  	s9 =	sadd.s32 $0xFFFFFEF7, lr;
	s5 =	simm.s32 $0xFFFFFFFF;
	p2 =	slt.u32 s8, $0xFFFFF086  }
0x1c: {  	p1 =	slt.u32 s9, $0xF7A;
	s5 =	simm.s32 @!p2 $0x0  }
0x1d: {  	s5 =	simm.s32 @p1 $0x1;
	p0 =	seq.s32 s7, s2  }
0x1e: {  	s7 =	smul.u32 @!p0 $0xF7A, s2;
	p2 =	seq.s32 @!p0 s5, $0x0  }
0x1f: {  	s9 =	smul.u32 $0xF7A, s1;
	s8 =	simm.s32 @!p0 $0x1BF5;
	p2 =	por !p2, p0  }
0x20: {  	[sflag:s8] =	ssyncset.s32 @!p0 $0xFFFFF086;
	s6 =	sadd.s32 @!p0 s3, s7;
	s7 =	simm.s32 @!p0 $0x108  }
0x21: {  	s3 =	sadd.s32 s3, s9;
	s6 =	sadd.s32 @!p0 $0x88, s6;
	s7 =	simm.s32 @p2 $0x1082  }
0x22: {  	[simem:s7], [sflag:s8] =	dma.local @!p0 [hbm:s6], $0xF7A  }
0x23: {  	s9 =	sor.u32 $0xD0000000, s2;
	s6 =	simm.s32 $0x108;
	_ =	swait.ge @!p0 [sflag:s8], $0x0  }
0x24: {  	s3 =	sadd.s32 $0x88, s3;
	s6 =	simm.s32 @!p1 $0x1082;
	[sflag:s4] =	ssyncset.s32 $0xFFFFF086  }
0x25: {  	[simem:s6], [sflag:s4] =	dma.local [hbm:s3], $0xF7A  }
0x26: {  	[smem:$0x3F9F] =	sst s1;
	(tag) =	ssettag s2;
	_ =	strace s9  }
0x27: {  	s1 =	sld [smem:$0x3FAF]  }
0x28: {  	s2 =	sld [smem:$0x3FB0]  }
0x29: {  	s4 =	sld [smem:$0x3FB2]  }
0x2a: {  	p0 =	seq.s32 s5, $0x0;
	s5 =	sld [smem:$0x3FB3]  }
0x2b: {  	s6 =	sld [smem:$0x3FB4]  }
0x2c: {  	s7 =	sld [smem:$0x3FB5]  }
0x2d: {  	s3 =	simm.s32 $0x108;
	s8 =	sld [smem:$0x3FB6]  }
0x2e: {  	s3 =	simm.s32 @!p0 $0x1082;
	s9 =	sld [smem:$0x3FB7]  }
0x2f: {  	lr =	sadd.s32 s0, s3;
	s0 =	sld [smem:$0x3FAE]  }
0x30: {  	s3 =	sld [smem:$0x3FB1]  }
0x31: {  	[smem:$0x3FBA] =	sst s10  }
0x32: {  	s10 =	sld [smem:$0x3FB8];
	_ =	sdelay $0x3  }
0x33: {  	p0 =	seq.s32 s10, $0x1;
	s10 =	sld [smem:$0x3FBA];
	_ =	sdelay $0x3  }
0x34: {  	[smem:$0x3FBA] =	sst s10  }
0x35: {  	s10 =	sld [smem:$0x3FB9];
	_ =	sdelay $0x3  }
0x36: {  	p1 =	seq.s32 s10, $0x1;
	s10 =	sld [smem:$0x3FBA];
	_ =	sdelay $0x3  }
0x37: {  	[smem:$0x3FBA] =	sst s10  }
0x38: {  	s10 =	sld [smem:$0x3FBB]  }
0x39: {  	_ = 	snop;
	(pc) =	sbr.ind lr, $3  }
0x3a: {  	_ = 	snop  }
0x3b: {  	_ = 	snop  }
0x3c: {  	p2 =	seq.s32 s10, $0x1;
	s10 =	sld [smem:$0x3FBA]  }
0x3d: {  	_ =	shalt  }
0x3e: {  	_ =	shalt  }
0x3f: {  	_ =	shalt  }
0x40: {  	_ =	shalt  }
0x41: {  	_ =	shalt  }
0x42: {  	_ =	shalt  }
0x43: {  	_ =	shalt  }
0x44: {  	_ =	shalt  }
0x45: {  	_ =	shalt  }
0x46: {  	_ =	shalt  }
0x47: {  	_ =	shalt  }
0x48: {  	_ =	shalt  }
0x49: {  	_ =	shalt  }
0x4a: {  	_ =	shalt  }
0x4b: {  	_ =	shalt  }
0x4c: {  	_ =	shalt  }
0x4d: {  	_ =	shalt  }
0x4e: {  	_ =	shalt  }
0x4f: {  	_ =	shalt  }
0x50: {  	_ =	shalt  }
0x51: {  	_ =	shalt  }
0x52: {  	_ =	shalt  }
0x53: {  	_ =	shalt  }
0x54: {  	_ =	shalt  }
0x55: {  	_ =	shalt  }
0x56: {  	_ =	shalt  }
0x57: {  	_ =	shalt  }
0x58: {  	_ =	shalt  }
0x59: {  	_ =	shalt  }
0x5a: {  	_ =	shalt  }
0x5b: {  	_ =	shalt  }
0x5c: {  	_ =	shalt  }
0x5d: {  	_ =	shalt  }
0x5e: {  	_ =	shalt  }
0x5f: {  	_ =	shalt  }
0x60: {  	_ =	shalt  }
0x61: {  	_ =	shalt  }
0x62: {  	_ =	shalt  }
0x63: {  	_ =	shalt  }
0x64: {  	_ =	shalt  }
0x65: {  	_ =	shalt  }
0x66: {  	_ =	shalt  }
0x67: {  	_ =	shalt  }
0x68: {  	_ =	shalt  }
0x69: {  	_ =	shalt  }
0x6a: {  	_ =	shalt  }
0x6b: {  	_ =	shalt  }
0x6c: {  	_ =	shalt  }
0x6d: {  	_ =	shalt  }
0x6e: {  	_ =	shalt  }
0x6f: {  	_ =	shalt  }
0x70: {  	_ =	shalt  }
0x71: {  	_ =	shalt  }
0x72: {  	_ =	shalt  }
0x73: {  	_ =	shalt  }
0x74: {  	_ =	shalt  }
0x75: {  	_ =	shalt  }
0x76: {  	_ =	shalt  }
0x77: {  	_ =	shalt  }
0x78: {  	_ =	shalt  }
0x79: {  	_ =	shalt  }
0x7a: {  	_ =	shalt  }
0x7b: {  	_ =	shalt  }
0x7c: {  	_ =	shalt  }
0x7d: {  	_ =	shalt  }
0x7e: {  	_ =	shalt  }
0x7f: {  	_ =	shalt  }
0x80: {  	_ =	shalt  }
0x81: {  	_ =	shalt  }
0x82: {  	_ =	shalt  }
0x83: {  	_ =	shalt  }
0x84: {  	_ =	shalt  }
0x85: {  	_ =	shalt  }
0x86: {  	_ =	shalt  }
0x87: {  	_ =	shalt  }
.Lfunc_end0:
.L_simem_size_0:
called_computation_lowered:
.L_overlay_start_0:
0x88: {  	s2 =	sld [smem:$0x3FD9]  }
0x89: {  	s3 =	sld [smem:$0x3FFE];
	_ =	sdelay $0x1  }
0x8a: {  	s1 =	srdreg.scid  }
0x8b: {  	s0 =	sand.u32 $0x1, s1  }
0x8c: {  	s17 =	sshll.u32 s0, $0xA;
	s2 =	sadd.s32 s3, s2  }
0x8d: {  	s2 =	sadd.s32 s2, s17  }
0x8e: {  	[smem:$0x3FC6] =	sst s2  }
0x8f: {  	_ = 	snop  }
0x90: {  	s2 =	sld [smem:$0x3FC9];
	(tm) =	ssettm $0x1  }
0x91: {  	s18 =	sld [smem:$0x3FFB];
	_ =	sdelay $0x3  }
0x92: {  	_ =	strace s18  }
0x93: {  	s3 =	sld [smem:$0x3FFC];
	_ =	sdelay $0x3  }
0x94: {  	_ =	strace s3  }
0x95: {  	s3 =	sld [smem:$0x3FFD];
	_ =	sdelay $0x3  }
0x96: {  	_ =	strace s3  }
0x97: {  	_ =	strace $0x8FFFFFFF  }
0x98: {  	s19 =	sld [smem:$0x3FDB];
	_ =	sdelay $0x1  }
0x99: {  	s4 =	simm.s32 $_scs_section_size  }
0x9a: {  	s5 =	simm.s32 $_size__tile_overlayer_lowered;
	s6 =	simm.s32 $_tile_overlayer_lowered  }
0x9b: {  	s22 =	simm.s32 $0x1BFF;
	s21 =	sshll.u32 s6, $0x1;
	s3 =	sadd.s32 s4, s19  }
0x9c: {  	s7 =	simm.s32 $0x0;
	s20 =	sshll.u32 s5, $0x1;
	s5 =	sadd.s32 s21, s3  }
0x9d: {  	[timem:s7], [sflag:s22] =	dma.local [hbm:s5], s20  }
0x9e: {  	_ =	swait.ge [sflag:s22], s20  }
0x9f: {  	s4 =	ssub.s32 $0x0, s20;
	[sflag:s22] =	ssyncset.done $0x0  }
0xa0: {  	[sflag:s22] =	ssyncadd.s32 s4;
	_ =	sdelay $0x1  }
0xa1: {  	s23 =	simm.s32 $0x1B8B  }
0xa2: {  	_ =	swait.ge [sflag:s23], $0x1  }
0xa3: {  	[sflag:s23] =	ssyncset.done $0x0  }
0xa4: {  	s25 =	simm.s32 $0x1B8E;
	s24 =	sld [smem:$0x3FFE];
	[sflag:s23] =	ssyncadd.s32 $0xFFFFFFFF  }
0xa5: {  	s26 =	simm.s32 $execute0_lowered;
	[smem:$0x3FD2] =	sst s25  }
0xa6: {  	s5 =	sshll.u32 s26, $0x1;
	_ =	strace $0x80000046;
	[dreg:$0x1] =	wrdreg $0xFFFFFFFF  }
0xa7: {  	s28 =	simm.s32 $_size_execute0_lowered;
	s3 =	sadd.s32 s3, s5;
	[dreg:$0x0] =	wrdreg $0x0  }
0xa8: {  	s5 =	sshll.u32 s28, $0x1;
	[dreg:$0x2] =	wrdreg s3  }
0xa9: {  	[dreg:$0x3] =	wrdreg s5  }
0xaa: {  	[dreg:$0x4] =	wrdreg $0xC0  }
0xab: {  	_ =	task [dreg:s7], $0x5FFFF  }
0xac: {  	[dreg:$0x1] =	wrdreg $0xFFFFFFFF  }
0xad: {  	[dreg:$0x0] =	wrdreg $0x60  }
0xae: {  	[dreg:$0x2] =	wrdreg s24  }
0xaf: {  	[dreg:$0x3] =	wrdreg s2  }
0xb0: {  	[dreg:$0x4] =	wrdreg $0x9  }
0xb1: {  	_ =	task.clear_ibuf [dreg:s7], $0x5FFFF;
	_ =	strace $0x90000046  }
0xb2: {  	s29 =	simm.s32 $0x9;
	_ =	strace $0x80000048  }
0xb3: {  	_ =	swait.ge [sflag:s29], $0x1  }
0xb4: {  	[sflag:s29] =	ssyncadd.s32 $0xFFFFFFFF  }
0xb5: {  	_ =	strace $0x90000048  }
0xb6: {  	_ =	sfence  }
0xb7: {  	s30 =	sld [smem:$0x0];
	_ =	sdelay $0x2  }
0xb8: {  	s31 =	sshll.u32 s1, $0xD;
	s1 =	sshrl.u32 s1, $0x2  }
0xb9: {  	s3 =	sand.u32 $0x4000, s31;
	s1 =	sadd.s32 s1, s30  }
0xba: {  	s0 =	sor.u32 s3, s0;
	s1 =	sshll.u32 s1, $0x11  }
0xbb: {  	s0 =	sor.u32 s1, s0  }
0xbc: {  	s0 =	sadd.s32 $0x8F2B, s0  }
0xbd: {  	[sflag:s0] =	ssyncadd.remote.s32 $0x1  }
0xbe: {  	_ =	sfence.sel $0xFFFF  }
0xbf: {  	[dreg:$0x0] =	wrdreg $0xFFFFFFFF;
	(pc) =	sbr.abs _section_cstart, $3  }
0xc0: {  	[dreg:$0x1] =	wrdreg $0xFFFFFFFF  }
0xc1: {  	_ =	task.clear_ibuf [dreg:s7], $0x2FFFF;
	_ =	strace $0x9FFFFFFF  }
0xc2: {  	(tm) =	ssettm $0x7FFFFFFF  }
0xc3: {  	_ =	shalt  }
tec
execute0_lowered:
.L_overlay_start_1:
0x0: {  	(tag) =	ssettag $0x1  }
0x1: {  	s4 =	rddreg [dreg:$0x0]  }
0x2: {  	s5 =	rddreg [dreg:$0x1]  }
0x3: {  	s0 =	rddreg [dreg:$0x2];
	s2 =	simm.s32 $0x0;
	s3 =	srdreg.scid  }
0x4: {  	s1 =	stileid.u32;
	s10 =	simm.s32 $0x0;
	s6 =	sand.u32 $0x1, s3  }
0x5: {  	[smem:$0x7FF] =	sst s2;
	s7 =	sshll.u32 s1, $0xA;
	s8 =	sshll.u32 s6, $0x9  }
0x6: {  	s3 =	sadd.s32 $0x400, s4;
	s6 =	ssub.s32 $0x2, s6;
	s7 =	sor.u32 s8, s7  }
0x7: {  	_ =	strace $0x80000047;
	s9 =	sshrl.u32 s6, $0x1;
	s8 =	sshll.u32 s7, $0x4  }
0x8: {  	s7 =	sshrl.u32 s7, $0x3;
	s6 =	ssub.s32 s6, s9;
	s9 =	simm.s32 $0x2  }
0x9: {  	s8 =	sadd.s32 s8, s4;
	s4 =	sadd.s32 s5, s7;
	s6 =	smax.u32 s6, $0x1  }
0xa: {  	s7 =	simm.s32 $0x1;
	s5 =	sadd.s32 $0xF42800, s8;
	s8 =	simm.s32 $0x200  }
.LBB2_1:
0xb: {  	[tilespmem:s2], [sflag:$0x2] =	stream.linear.gather [hbm4b:s4+s2], $0x200, $0x38;
	[tilespmem:$0x10200] =	vst v63  }
0xc: {  	_ =	swait.ge [sflag:s9], $0x200  }
0xd: {  	[sflag:s9] =	ssyncset.done $0x0  }
0xe: {  	[sflag:s9] =	ssyncadd.s32 $0xFFFFFE00  }
0xf: {  	v0 =	vld.msk [tilespmem:s9+$0xFFFFFFFE], $0x1;
	_ =	sdelay $0x4  }
0x10: {  	(v2sf) =	vpush v0, $0x0;
	_ =	sdelay $0xe  }
0x11: {  	s11 =	spop (v2sf)  }
0x12: {  	s11 =	sshll.u32 s11, $0x4  }
0x13: {  	s11 =	sand.u32 $0x1FFFFFF0, s11  }
0x14: {  	s12 =	simm.s32 $0x200;
	s11 =	sadd.s32 s3, s11  }
0x15: {  	[tilespmem:s12], [sflag:$0x1] =	stream.linear.gather [hbm4b:s11+s2], $0x80, $0x38;
	[tilespmem:$0x10200] =	vst v63  }
0x16: {  	v61 =	vld.msk [tilespmem:s9+$0xFFFFFFFF], $0x1;
	_ =	sdelay $0x4  }
0x17: {  	(v2sf) =	vpush v61, $0x0;
	_ =	sdelay $0xe  }
0x18: {  	s25 =	spop (v2sf)  }
0x19: {  	s11 =	sshll.u32 s25, $0x4  }
0x1a: {  	s11 =	sand.u32 $0x1FFFFFF0, s11  }
0x1b: {  	s26 =	simm.s32 $0x280;
	s11 =	sadd.s32 s3, s11  }
0x1c: {  	[tilespmem:s26], [sflag:$0x1] =	stream.linear.gather [hbm4b:s11+s2], $0x80, $0x38;
	[tilespmem:$0x10200] =	vst v63  }
0x1d: {  	v62 =	vld.msk [tilespmem:s9+$0x0], $0x1;
	_ =	sdelay $0x4  }
0x1e: {  	(v2sf) =	vpush v62, $0x0;
	_ =	sdelay $0xe  }
0x1f: {  	s28 =	spop (v2sf)  }
0x20: {  	s11 =	sshll.u32 s28, $0x4  }
0x21: {  	s11 =	sand.u32 $0x1FFFFFF0, s11  }
0x22: {  	s29 =	simm.s32 $0x300;
	s11 =	sadd.s32 s3, s11  }
0x23: {  	[tilespmem:s29], [sflag:$0x1] =	stream.linear.gather [hbm4b:s11+s2], $0x80, $0x38;
	[tilespmem:$0x10200] =	vst v63  }
0x24: {  	v63 =	vld.msk [tilespmem:s9+$0x1], $0x1;
	_ =	sdelay $0x4  }
0x25: {  	(v2sf) =	vpush v63, $0x0;
	_ =	sdelay $0xe  }
0x26: {  	s30 =	spop (v2sf)  }
0x27: {  	s31 =	sshll.u32 s30, $0x4  }
0x28: {  	s14 =	simm.s32 $0x380;
	s12 =	simm.s32 $0x6;
	s13 =	sand.u32 $0x1FFFFFF0, s31  }
0x29: {  	s11 =	simm.s32 $0x0;
	s15 =	sadd.s32 s3, s13;
	s13 =	simm.s32 $0x500  }
.LBB2_2:
0x2a: {  	[tilespmem:s14], [sflag:$0x1] =	stream.linear.gather [hbm4b:s15+s2], $0x80, $0x38;
	[tilespmem:$0x10200] =	vst v63  }
0x2b: {  	s11 =	sadd.s32 $0x4, s11;
	v0 =	vld.msk [tilespmem:s12+$0xFFFFFFFE], $0x1  }
0x2c: {  	p0 =	slt.u32 s11, $0x1FC;
	_ =	sdelay $0x3  }
0x2d: {  	(v2sf) =	vpush v0, $0x0;
	_ =	sdelay $0xe  }
0x2e: {  	s14 =	spop (v2sf)  }
0x2f: {  	s14 =	sshll.u32 s14, $0x4  }
0x30: {  	s14 =	sand.u32 $0x1FFFFFF0, s14  }
0x31: {  	s15 =	sadd.s32 $0xFFFFFF00, s13;
	s14 =	sadd.s32 s3, s14  }
0x32: {  	[tilespmem:s15], [sflag:$0x1] =	stream.linear.gather [hbm4b:s14+s2], $0x80, $0x38;
	[tilespmem:$0x10200] =	vst v63  }
0x33: {  	v0 =	vld.msk [tilespmem:s12+$0xFFFFFFFF], $0x1;
	_ =	sdelay $0x4  }
0x34: {  	(v2sf) =	vpush v0, $0x0;
	_ =	sdelay $0xe  }
0x35: {  	s14 =	spop (v2sf)  }
0x36: {  	s14 =	sshll.u32 s14, $0x4  }
0x37: {  	s14 =	sand.u32 $0x1FFFFFF0, s14  }
0x38: {  	s15 =	sadd.s32 $0xFFFFFF80, s13;
	s14 =	sadd.s32 s3, s14  }
0x39: {  	[tilespmem:s15], [sflag:$0x1] =	stream.linear.gather [hbm4b:s14+s2], $0x80, $0x38;
	[tilespmem:$0x10200] =	vst v63  }
0x3a: {  	v0 =	vld.msk [tilespmem:s12+$0x0], $0x1;
	_ =	sdelay $0x4  }
0x3b: {  	(v2sf) =	vpush v0, $0x0;
	_ =	sdelay $0xe  }
0x3c: {  	s14 =	spop (v2sf)  }
0x3d: {  	s14 =	sshll.u32 s14, $0x4  }
0x3e: {  	s14 =	sand.u32 $0x1FFFFFF0, s14  }
0x3f: {  	s14 =	sadd.s32 s3, s14  }
0x40: {  	[tilespmem:s13], [sflag:$0x1] =	stream.linear.gather [hbm4b:s14+s2], $0x80, $0x38;
	[tilespmem:$0x10200] =	vst v63  }
0x41: {  	v0 =	vld.msk [tilespmem:s12+$0x1], $0x1;
	_ =	sdelay $0x4  }
0x42: {  	(v2sf) =	vpush v0, $0x0;
	_ =	sdelay $0xd  }
.Ltmp0:
0x43: {  	(pc) =	sbr.rel @p0 .LBB2_2-.Ltmp0, $4  }
0x44: {  	s14 =	spop (v2sf)  }
0x45: {  	s14 =	sshll.u32 s14, $0x4  }
0x46: {  	s12 =	sadd.s32 $0x4, s12;
	s15 =	sand.u32 $0x1FFFFFF0, s14  }
0x47: {  	s14 =	sadd.s32 $0x80, s13;
	s13 =	sadd.s32 $0x200, s13;
	s15 =	sadd.s32 s3, s15  }
0x48: {  	[tilespmem:s14], [sflag:$0x1] =	stream.linear.gather [hbm4b:s15+s2], $0x80, $0x38;
	[tilespmem:$0x10200] =	vst v63  }
0x49: {  	_ =	swait.ge [sflag:s7], $0x80  }
0x4a: {  	[sflag:s7] =	ssyncset.done $0x0  }
0x4b: {  	[sflag:s7] =	ssyncadd.s32 $0xFFFFFF80  }
0x4c: {  	_ =	swait.ge [sflag:s7], $0x80  }
0x4d: {  	[sflag:s7] =	ssyncset.done $0x0  }
0x4e: {  	[sflag:s7] =	ssyncadd.s32 $0xFFFFFF80  }
0x4f: {  	_ =	swait.ge [sflag:s7], $0x80  }
0x50: {  	[sflag:s7] =	ssyncset.done $0x0  }
0x51: {  	[sflag:s7] =	ssyncadd.s32 $0xFFFFFF80  }
0x52: {  	_ =	swait.ge [sflag:s7], $0x80  }
0x53: {  	s11 =	simm.s32 $0x0;
	[sflag:s7] =	ssyncset.done $0x0  }
.LBB2_4:
0x54: {  	s11 =	sadd.s32 $0x4, s11;
	[sflag:s7] =	ssyncadd.s32 $0xFFFFFF80  }
0x55: {  	_ =	swait.ge [sflag:s7], $0x80;
	p0 =	slt.u32 s11, $0x1FC  }
0x56: {  	[sflag:s7] =	ssyncset.done $0x0  }
0x57: {  	[sflag:s7] =	ssyncadd.s32 $0xFFFFFF80  }
0x58: {  	_ =	swait.ge [sflag:s7], $0x80  }
0x59: {  	[sflag:s7] =	ssyncset.done $0x0  }
0x5a: {  	[sflag:s7] =	ssyncadd.s32 $0xFFFFFF80  }
.Ltmp1:
0x5b: {  	_ =	swait.ge [sflag:s7], $0x80;
	(pc) =	sbr.rel @p0 .LBB2_4-.Ltmp1, $4  }
0x5c: {  	[sflag:s7] =	ssyncset.done $0x0  }
0x5d: {  	[sflag:s7] =	ssyncadd.s32 $0xFFFFFF80  }
0x5e: {  	_ =	swait.ge [sflag:s7], $0x80  }
0x5f: {  	[sflag:s7] =	ssyncset.done $0x0  }
0x60: {  	s10 =	sadd.s32 $0x1, s10  }
0x61: {  	p0 =	sne.s32 s10, s6  }
.Ltmp2:
0x62: {  	[sflag:s7] =	ssyncadd.s32 $0xFFFFFF80;
	(pc) =	sbr.rel @p0 .LBB2_1-.Ltmp2, $4  }
0x63: {  	[hbm4b:s5+s2] =	stream.linear.scatter [tilespmem:s8], [sflag:$0x2], $0x10000, $0x38;
	[tilespmem:$0x10200] =	vst v63  }
0x64: {  	_ =	swait.ge [sflag:s9], $0x10000  }
0x65: {  	[sflag:s9] =	ssyncset.done $0x0  }
0x66: {  	[sflag:s9] =	ssyncadd.s32 $0xFFFF0000  }
0x67: {  	_ =	sfence.sel $0x180000  }
0x68: {  	[bflag:$0x0] =	sbarrier.arrive $0xFFFF  }
0x69: {  	p0 =	sne.s32 s1, $0x0;
	_ =	strace $0x90000047  }
0x6a: {  	s0 =	sadd.s32 @!p0 $0x100000, s0;
	[bflag:$0x2] =	sbarrier.arrive $0xFFFF  }
0x6b: {  	[sflag:s0] =	ssyncadd.tile.s32 @!p0 $0x1;
	_ =	shalt  }
.Lfunc_end2:
_tile_overlayer_lowered:
.L_overlay_start_2:
0x6c: {  	(tag) =	ssettag $0x2  }
0x6d: {  	s0 =	rddreg [dreg:$0x0];
	s2 =	stileid.u32  }
0x6e: {  	s1 =	rddreg [dreg:$0x1];
	p0 =	sne.s32 s2, $0x0  }
0x6f: {  	s3 =	rddreg [dreg:$0x2];
	[bflag:$0x3] =	sbarrier.arrive $0xFFFF;
	s2 =	simm.s32 @!p0 $0x1C02  }
0x70: {  	[timem:s3], [sflag:s2] =	dma.local @!p0 [hbm:s0], s1  }
0x71: {  	s0 =	simm.s32 @!p0 $0x2  }
0x72: {  	_ =	swait.ge @!p0 [sflag:s0], s1  }
0x73: {  	s1 =	ssub.s32 @!p0 $0x0, s1;
	[sflag:s0] =	ssyncset.done @!p0 $0x0  }
0x74: {  	[sflag:s0] =	ssyncadd.s32 @!p0 s1  }
0x75: {  	[bflag:$0x3] =	sbarrier.arrive $0xFFFF  }
0x76: {  	_ =	shalt  }

</sc_bundles>
